<compile_context>
chip_gen: v7x
topology: tpu7x:2x2x1
jax: 0.10.2.dev20260603
libtpu: 0.0.44.dev20260713+nightly
codegen_flags: <defaults>
</compile_context>

<pallas_src>
import functools

import jax
import jax.numpy as jnp
from jax import lax
from jax.experimental import pallas as pl
from jax.experimental.pallas import tpu as pltpu
from jax.experimental.pallas import tpu_sc as plsc

NC = 2
NS = 16
NW = NC * NS
C = 800


BLK = 7813


@jax.jit
def _untile_table(tt):
    d, v = tt.shape
    nblk = (v + 127) // 128
    per_w = (nblk + NW - 1) // NW
    mesh = plsc.VectorSubcoreMesh(core_axis_name="c", subcore_axis_name="s")

    @functools.partial(
        pl.kernel,
        out_type=jax.ShapeDtypeStruct((v * d,), jnp.float32),
        mesh=mesh,
        scratch_types=[
            pltpu.VMEM((d, 128), jnp.float32),
            pltpu.VMEM((d, 128), jnp.float32),
            pltpu.VMEM((128 * d,), jnp.float32),
            pltpu.VMEM((128 * d,), jnp.float32),
            pltpu.SemaphoreType.DMA,
            pltpu.SemaphoreType.DMA,
            pltpu.SemaphoreType.DMA,
            pltpu.SemaphoreType.DMA,
        ],
        compiler_params=pltpu.CompilerParams(use_tc_tiling_on_sc=True,
                                             needs_layout_passes=False),
    )
    def body(tt_hbm, out_hbm, src_v0, src_v1, dst_v0, dst_v1,
             sems0, sems1, semw0, semw1):
        cid = lax.axis_index("c")
        sid = lax.axis_index("s")
        wid = sid * NC + cid
        src_v = [src_v0, src_v1]
        dst_v = [dst_v0, dst_v1]
        sems = [sems0, sems1]
        semw = [semw0, semw1]
        iota = lax.iota(jnp.int32, 16)

        def blk_of(i):
            return wid + i * NW

        def fire_read(i, b):
            k = blk_of(i)
            @pl.when(k < nblk)
            def _():
                pltpu.async_copy(
                    tt_hbm.at[:, pl.ds(pl.multiple_of(k * 128, 128), 128)],
                    src_v[b], sems[b])

        def drain_read(b):
            pltpu.make_async_copy(tt_hbm.at[:, pl.ds(0, 128)],
                                  src_v[b], sems[b]).wait()

        def transpose_block(b):
            def f(j, carry):
                js = jnp.full((16,), j, jnp.int32)
                jo = pl.multiple_of(j * d, 16)
                for h in range(d // 16):
                    col = plsc.load_gather(src_v[b], [h * 16 + iota, js])
                    dst_v[b][pl.ds(jo + h * 16, 16)] = col
                return carry
            lax.fori_loop(0, 128, f, 0)

        def fire_write(i, b):
            k = blk_of(i)
            @pl.when(k < nblk)
            def _():
                pltpu.async_copy(
                    dst_v[b],
                    out_hbm.at[pl.ds(k * 128 * d, 128 * d)], semw[b])

        def drain_write(b):
            pltpu.make_async_copy(out_hbm.at[pl.ds(0, 128 * d)],
                                  dst_v[b], semw[b]).wait()

        n_i = (nblk + NW - 1) // NW
        fire_read(0, 0)

        def step(i, carry):
            b0 = 0
            b1 = 1
            for j, b in ((0, b0), (1, b1)):
                ii = i * 2 + j
                @pl.when(blk_of(ii) < nblk)
                def _():
                    fire_read(ii + 1, 1 - b)
                    drain_read(b)
                    drain_write_if(ii, b)
                    transpose_block(b)
                    fire_write(ii, b)
            return carry

        def drain_write_if(ii, b):
            @pl.when(ii >= 2)
            def _():
                drain_write(b)

        lax.fori_loop(0, (n_i + 1) // 2, step, 0)
        @pl.when(blk_of(0) < nblk)
        def _fd():
            drain_write(0)

        @pl.when((n_i >= 2) & (blk_of(1) < nblk))
        def _fd2():
            drain_write(1)

    return body(tt)


@functools.partial(jax.jit, static_argnames=("n_chunks",))
def _embed_lookup(idx, table, pos, *, n_chunks):
    n, = idx.shape
    _, d = table.shape
    s, _ = pos.shape
    per_w = n // NW
    mesh = plsc.VectorSubcoreMesh(core_axis_name="c", subcore_axis_name="s")

    @functools.partial(
        pl.kernel,
        out_type=jax.ShapeDtypeStruct((s, d, n // s), jnp.float32),
        mesh=mesh,
        scratch_types=[
            pltpu.VMEM((C,), jnp.int32),
            pltpu.VMEM((C,), jnp.int32),
            pltpu.VMEM((C,), jnp.int32),
            pltpu.VMEM((C,), jnp.int32),
            pltpu.VMEM((C, d), jnp.float32),
            pltpu.VMEM((C, d), jnp.float32),
            pltpu.VMEM((50, 32, 16), jnp.float32),
            pltpu.VMEM((50, 32, 16), jnp.float32),
            pltpu.VMEM((2 * s, d), jnp.float32),
            pltpu.VMEM((1, d), jnp.float32),
            pltpu.HBM((NC * 16 * 2 * s, d), jnp.float32),
            pltpu.SemaphoreType.DMA,
            pltpu.SemaphoreType.DMA,
            pltpu.SemaphoreType.DMA,
            pltpu.SemaphoreType.DMA,
            pltpu.SemaphoreType.DMA,
            pltpu.SemaphoreType.DMA,
        ],
        compiler_params=pltpu.CompilerParams(use_tc_tiling_on_sc=False, needs_layout_passes=False),
    )
    def body(idx_hbm, table_hbm, pos_hbm, out_hbm,
             idx_v0, idx_v1, cidx_v0, cidx_v1, rows_v0, rows_v1,
             stage_v0, stage_v1, combo_v, r0_v, combo_hbm,
             semi0, semi1, semg0, semg1, semo0, semo1):
        cid = lax.axis_index("c")
        sid = lax.axis_index("s")
        wid = sid * NC + cid
        base = wid * per_w
        combo_base = cid * 16 * 2 * s

        @pl.when(sid == 0)
        def _build():
            pltpu.sync_copy(table_hbm.at[pl.ds(0, 1)], r0_v)
            pltpu.sync_copy(pos_hbm, combo_v.at[pl.ds(0, s)])
            pltpu.sync_copy(pos_hbm, combo_v.at[pl.ds(s, s)])
            for h in range(d // 16):
                r0h = r0_v[0, pl.ds(h * 16, 16)]
                for j in range(s):
                    combo_v[s + j, pl.ds(h * 16, 16)] = (
                        combo_v[s + j, pl.ds(h * 16, 16)] - r0h)
            for r in range(16):
                pltpu.sync_copy(
                    combo_v,
                    combo_hbm.at[pl.ds(combo_base + r * 2 * s, 2 * s)])

        plsc.subcore_barrier()

        iota = lax.iota(jnp.int32, 16)
        idx_v = [idx_v0, idx_v1]
        cidx_v = [cidx_v0, cidx_v1]
        rows_v = [rows_v0, rows_v1]
        stage_v = [stage_v0, stage_v1]

        nb16 = C // s

        def transpose_chunk(buf):
            def f(sj, carry):
                pvec = iota * s + sj
                for c in range(d):
                    csp = jnp.full((16,), c, jnp.int32)
                    vals = plsc.load_gather(rows_v[buf], [pvec, csp])
                    stage_v[buf][sj, c, pl.ds(0, 16)] = vals
                return carry
            lax.fori_loop(0, s, f, 0)
        semi = [semi0, semi1]
        semg = [semg0, semg1]
        semo = [semo0, semo1]

        def build_cidx(buf):
            def f(k, carry):
                o = pl.multiple_of(k * 16, 16)
                v = idx_v[buf][pl.ds(o, 16)]
                sp = lax.rem(iota + o, s)
                pad = jnp.where(v == 0, s, 0).astype(jnp.int32)
                rep = lax.rem(k + wid, 16) * (2 * s)
                cidx_v[buf][pl.ds(o, 16)] = sp + pad + combo_base + rep
                return carry
            lax.fori_loop(0, C // 16, f, 0)

        def off(g):
            return base + g * C

        G = n_chunks
        tg = [None, None]
        ca = [None, None]
        ou = [None, None]
        ic = [None, None]

        pltpu.sync_copy(idx_hbm.at[pl.ds(off(0), C)], idx_v[0])
        build_cidx(0)
        tg[0] = pltpu.async_copy(table_hbm.at[idx_v[0]], rows_v[0], semg[0])
        if G > 1:
            ic[1] = pltpu.async_copy(idx_hbm.at[pl.ds(off(1), C)],
                                     idx_v[1], semi[1])

        for g in range(G):
            b = g % 2
            nb = 1 - b
            tg[b].wait()
            ca[b] = pltpu.async_copy(combo_hbm.at[cidx_v[b]], rows_v[b],
                                     semg[b], add=True)
            if g + 1 < G:
                ic[nb].wait()
                build_cidx(nb)
                if g + 2 < G:
                    ic[b] = pltpu.async_copy(idx_hbm.at[pl.ds(off(g + 2), C)],
                                             idx_v[b], semi[b])
            ca[b].wait()
            if g >= 2:
                ou[b].wait()
            transpose_chunk(b)
            bo = wid * (per_w // s) + g * nb16
            ou[b] = pltpu.async_copy(stage_v[b],
                                     out_hbm.at[:, :, pl.ds(bo, nb16)],
                                     semo[b])
            if g + 1 < G:
                tg[nb] = pltpu.async_copy(table_hbm.at[idx_v[nb]],
                                          rows_v[nb], semg[nb])

        if G > 1:
            ou[(G - 2) % 2].wait()
        ou[(G - 1) % 2].wait()
        _ = sid

    return body(idx, table, pos)


def kernel(x, embedding_table, pos_embeddings):
    b, s = x.shape
    _, d = embedding_table.shape
    n = b * s
    idx = x.reshape(n).astype(jnp.int32)
    n_chunks = n // (NW * C)
    table_lin = _untile_table(embedding_table.T).reshape(
        embedding_table.shape)
    out3 = _embed_lookup(idx, table_lin, pos_embeddings,
                         n_chunks=n_chunks)
    return out3.transpose(2, 0, 1)

# --- scband reference (transcript-rebuilt; emitter-appended) ---
"""Pipeline reference for scband-embed-model-17317308137760 (READ-ONLY COPY).

The authoritative reference and input builder live on the scoring server;
editing this copy changes nothing except your own understanding.
"""

import jax, jax.numpy as jnp
import numpy as np

VOCAB = 1000000
DIM = 32
BATCH = 4096
SEQ = 50
PAD_IDX = 0

def setup_inputs(seed: int = 0) -> dict:
    key = jax.random.key(seed)
    k1, k2, k3 = jax.random.split(key, 3)
    x = jax.random.randint(k1, (BATCH, SEQ), 0, VOCAB, dtype=jnp.int64)
    embedding_table = jax.random.normal(k2, (VOCAB, DIM), dtype=jnp.float32) * 0.02
    pos_embeddings = jax.random.normal(k3, (SEQ, DIM), dtype=jnp.float32) * 0.02
    return {"x": x, "embedding_table": embedding_table, "pos_embeddings": pos_embeddings}

def reference(x, embedding_table, pos_embeddings):
    # nn.Embedding with padding_idx: the padding row is held at zero
    table = embedding_table.at[PAD_IDX].set(0.0)
    emb = jnp.take(table, x, axis=0)          # [B, S, D] gather
    out = emb + pos_embeddings                # broadcast add of [S, D] positional table
    return out

if __name__ == "__main__":
    import jax
    _d = setup_inputs()
    print(jax.jit(kernel)(*tuple(_d.values())))

</pallas_src>

<mosaic_0001>
#map = affine_map<(d0, d1) -> (0, 0)>
#map1 = affine_map<(d0, d1) -> (0)>
module attributes {stable_mosaic.version = 14 : i64} {
  func.func @body(%arg0: i32, %arg1: i32, %arg2: memref<32x1000000xf32, #tpu.memory_space<hbm>>, %arg3: memref<32000000xf32, #tpu.memory_space<hbm>>, %arg4: memref<32x128xf32, #tpu.memory_space<vmem>>, %arg5: memref<32x128xf32, #tpu.memory_space<vmem>>, %arg6: memref<4096xf32, #tpu.memory_space<vmem>>, %arg7: memref<4096xf32, #tpu.memory_space<vmem>>, %arg8: memref<!tpu.dma_semaphore, #tpu.memory_space<semaphore_mem>>, %arg9: memref<!tpu.dma_semaphore, #tpu.memory_space<semaphore_mem>>, %arg10: memref<!tpu.dma_semaphore, #tpu.memory_space<semaphore_mem>>, %arg11: memref<!tpu.dma_semaphore, #tpu.memory_space<semaphore_mem>>) attributes {dimension_semantics = [#tpu.dimension_semantics<core_parallel>, #tpu.dimension_semantics<subcore_parallel>], iteration_bounds = array<i64: 2, 16>, scalar_prefetch = 0 : i64, scratch_operands = 8 : i64, tpu.core_type = #tpu.core_type<sc_vector_subcore>, window_params = [{transform_indices = #map}, {transform_indices = #map1}]} {
    %mul3A = arith.constant 2 : i32
    %mul3A_0 = arith.muli %arg1, %mul3A : i32
    %add3A = arith.addi %mul3A_0, %arg0 : i32
    %iota3A = tpu.iota {dimensions = array<i32: 0>} : vector<16xi32>
    %add3A_1 = arith.constant 0 : i32
    %add3A_2 = arith.addi %add3A, %add3A_1 : i32
    %lt3A = arith.constant 7813 : i32
    %lt3A_3 = arith.cmpi slt, %add3A_2, %lt3A : i32
    %convert_element_type3A = arith.extui %lt3A_3 : i1 to i32
    %cond3A = arith.constant 0 : i32
    %cond3A_4 = arith.cmpi ne, %convert_element_type3A, %cond3A : i32
    scf.if %cond3A_4 {
      %mul3A_25 = arith.constant 128 : i32
      %mul3A_26 = arith.muli %add3A_2, %mul3A_25 : i32
      %multiple_of3A = tpu.assume_multiple %mul3A_26, 128 : i32
      %dma_start3A = arith.constant 0 : i32
      %dma_start3A_27 = tpu.memref_slice %arg2[%dma_start3A, %multiple_of3A] : memref<32x1000000xf32, #tpu.memory_space<hbm>> -> memref<32x128xf32, #tpu.memory_space<hbm>>
      %dma_start3A_28 = arith.constant 0 : i32
      %dma_start3A_29 = tpu.memref_slice %arg2[%dma_start3A_28, %multiple_of3A] : memref<32x1000000xf32, #tpu.memory_space<hbm>> -> memref<32x128xf32, #tpu.memory_space<hbm>>
      tpu.enqueue_dma source(%dma_start3A_29 : memref<32x128xf32, #tpu.memory_space<hbm>>) target(%arg4 : memref<32x128xf32, #tpu.memory_space<vmem>>) target_semaphore(%arg8 : memref<!tpu.dma_semaphore, #tpu.memory_space<semaphore_mem>>)
    } else {
    }
    %scan3A = arith.constant 0 : i32
    %scan3A_5 = arith.constant 0 : i32
    %scan3A_6 = arith.constant 123 : i32
    %scan3A_7 = arith.addi %scan3A_5, %scan3A_6 : i32
    %scan3A_8 = arith.constant 1 : i32
    scf.for %scan3A_25 = %scan3A_5 to %scan3A_7 step %scan3A_8  : i32 {
      %mul3A_26 = arith.constant 2 : i32
      %mul3A_27 = arith.muli %scan3A_25, %mul3A_26 : i32
      %add3A_28 = arith.constant 0 : i32
      %add3A_29 = arith.addi %mul3A_27, %add3A_28 : i32
      %mul3A_30 = arith.constant 32 : i32
      %mul3A_31 = arith.muli %add3A_29, %mul3A_30 : i32
      %add3A_32 = arith.addi %add3A, %mul3A_31 : i32
      %lt3A_33 = arith.constant 7813 : i32
      %lt3A_34 = arith.cmpi slt, %add3A_32, %lt3A_33 : i32
      %convert_element_type3A_35 = arith.extui %lt3A_34 : i1 to i32
      %cond3A_36 = arith.constant 0 : i32
      %cond3A_37 = arith.cmpi ne, %convert_element_type3A_35, %cond3A_36 : i32
      scf.if %cond3A_37 {
        %add3A_50 = arith.constant 1 : i32
        %add3A_51 = arith.addi %add3A_29, %add3A_50 : i32
        %mul3A_52 = arith.constant 32 : i32
        %mul3A_53 = arith.muli %add3A_51, %mul3A_52 : i32
        %add3A_54 = arith.addi %add3A, %mul3A_53 : i32
        %lt3A_55 = arith.constant 7813 : i32
        %lt3A_56 = arith.cmpi slt, %add3A_54, %lt3A_55 : i32
        %convert_element_type3A_57 = arith.extui %lt3A_56 : i1 to i32
        %cond3A_58 = arith.constant 0 : i32
        %cond3A_59 = arith.cmpi ne, %convert_element_type3A_57, %cond3A_58 : i32
        scf.if %cond3A_59 {
          %mul3A_83 = arith.constant 128 : i32
          %mul3A_84 = arith.muli %add3A_54, %mul3A_83 : i32
          %multiple_of3A = tpu.assume_multiple %mul3A_84, 128 : i32
          %dma_start3A = arith.constant 0 : i32
          %dma_start3A_85 = tpu.memref_slice %arg2[%dma_start3A, %multiple_of3A] : memref<32x1000000xf32, #tpu.memory_space<hbm>> -> memref<32x128xf32, #tpu.memory_space<hbm>>
          %dma_start3A_86 = arith.constant 0 : i32
          %dma_start3A_87 = tpu.memref_slice %arg2[%dma_start3A_86, %multiple_of3A] : memref<32x1000000xf32, #tpu.memory_space<hbm>> -> memref<32x128xf32, #tpu.memory_space<hbm>>
          tpu.enqueue_dma source(%dma_start3A_87 : memref<32x128xf32, #tpu.memory_space<hbm>>) target(%arg5 : memref<32x128xf32, #tpu.memory_space<vmem>>) target_semaphore(%arg9 : memref<!tpu.dma_semaphore, #tpu.memory_space<semaphore_mem>>)
        } else {
        }
        %dma_wait3A = arith.constant 0 : i32
        %dma_wait3A_60 = arith.constant 0 : i32
        %dma_wait3A_61 = tpu.memref_slice %arg2[%dma_wait3A, %dma_wait3A_60] : memref<32x1000000xf32, #tpu.memory_space<hbm>> -> memref<32x128xf32, #tpu.memory_space<hbm>>
        %dma_wait3A_62 = arith.constant 0 : i32
        %dma_wait3A_63 = arith.constant 0 : i32
        %dma_wait3A_64 = tpu.memref_slice %arg2[%dma_wait3A_62, %dma_wait3A_63] : memref<32x1000000xf32, #tpu.memory_space<hbm>> -> memref<32x128xf32, #tpu.memory_space<hbm>>
        tpu.wait_dma2 semaphore(%arg8 : memref<!tpu.dma_semaphore, #tpu.memory_space<semaphore_mem>>) src(%dma_wait3A_64 : memref<32x128xf32, #tpu.memory_space<hbm>>) dst(%arg4 : memref<32x128xf32, #tpu.memory_space<vmem>>)
        %ge3A = arith.constant 2 : i32
        %ge3A_65 = arith.cmpi sge, %add3A_29, %ge3A : i32
        %convert_element_type3A_66 = arith.extui %ge3A_65 : i1 to i32
        %cond3A_67 = arith.constant 0 : i32
        %cond3A_68 = arith.cmpi ne, %convert_element_type3A_66, %cond3A_67 : i32
        scf.if %cond3A_68 {
          %dma_wait3A_83 = arith.constant 0 : i32
          %dma_wait3A_84 = tpu.memref_slice %arg3[%dma_wait3A_83] : memref<32000000xf32, #tpu.memory_space<hbm>> -> memref<4096xf32, #tpu.memory_space<hbm>>
          %dma_wait3A_85 = arith.constant 0 : i32
          %dma_wait3A_86 = tpu.memref_slice %arg3[%dma_wait3A_85] : memref<32000000xf32, #tpu.memory_space<hbm>> -> memref<4096xf32, #tpu.memory_space<hbm>>
          tpu.wait_dma2 semaphore(%arg10 : memref<!tpu.dma_semaphore, #tpu.memory_space<semaphore_mem>>) src(%dma_wait3A_86 : memref<4096xf32, #tpu.memory_space<hbm>>) dst(%arg6 : memref<4096xf32, #tpu.memory_space<vmem>>)
        } else {
        }
        %scan3A_69 = arith.constant 0 : i32
        %scan3A_70 = arith.constant 0 : i32
        %scan3A_71 = arith.constant 128 : i32
        %scan3A_72 = arith.addi %scan3A_70, %scan3A_71 : i32
        %scan3A_73 = arith.constant 1 : i32
        scf.for %scan3A_83 = %scan3A_70 to %scan3A_72 step %scan3A_73  : i32 {
          %broadcast_in_dim3A = vector.broadcast %scan3A_83 : i32 to vector<16xi32>
          %mul3A_84 = arith.constant 32 : i32
          %mul3A_85 = arith.muli %scan3A_83, %mul3A_84 : i32
          %multiple_of3A = tpu.assume_multiple %mul3A_85, 16 : i32
          %add3A_86 = arith.constant 0 : i32
          %add3A_87 = vector.broadcast %add3A_86 : i32 to vector<16xi32>
          %add3A_88 = arith.addi %add3A_87, %iota3A : vector<16xi32>
          %gather3A = tpu.vector_load_idx %arg4[%add3A_88, %broadcast_in_dim3A] : memref<32x128xf32, #tpu.memory_space<vmem>>[vector<16xi32>, vector<16xi32>], vector<16xf32>,
          %add3A_89 = arith.constant 0 : i32
          %add3A_90 = arith.addi %multiple_of3A, %add3A_89 : i32
          %swap3A = arith.index_cast %add3A_90 : i32 to index
          %swap3A_91 = tpu.vector_load %arg6[%swap3A] {strides = array<i32>} : memref<4096xf32, #tpu.memory_space<vmem>>, vector<16xf32>,
          tpu.vector_store %arg6[%swap3A], %gather3A {strides = array<i32>} : memref<4096xf32, #tpu.memory_space<vmem>>, vector<16xf32>,
          %add3A_92 = arith.constant 16 : i32
          %add3A_93 = vector.broadcast %add3A_92 : i32 to vector<16xi32>
          %add3A_94 = arith.addi %add3A_93, %iota3A : vector<16xi32>
          %gather3A_95 = tpu.vector_load_idx %arg4[%add3A_94, %broadcast_in_dim3A] : memref<32x128xf32, #tpu.memory_space<vmem>>[vector<16xi32>, vector<16xi32>], vector<16xf32>,
          %add3A_96 = arith.constant 16 : i32
          %add3A_97 = arith.addi %multiple_of3A, %add3A_96 : i32
          %swap3A_98 = arith.index_cast %add3A_97 : i32 to index
          %swap3A_99 = tpu.vector_load %arg6[%swap3A_98] {strides = array<i32>} : memref<4096xf32, #tpu.memory_space<vmem>>, vector<16xf32>,
          tpu.vector_store %arg6[%swap3A_98], %gather3A_95 {strides = array<i32>} : memref<4096xf32, #tpu.memory_space<vmem>>, vector<16xf32>,
        }
        %scan3A_74 = arith.constant 128 : i32
        %mul3A_75 = arith.constant 32 : i32
        %mul3A_76 = arith.muli %add3A_29, %mul3A_75 : i32
        %add3A_77 = arith.addi %add3A, %mul3A_76 : i32
        %lt3A_78 = arith.constant 7813 : i32
        %lt3A_79 = arith.cmpi slt, %add3A_77, %lt3A_78 : i32
        %convert_element_type3A_80 = arith.extui %lt3A_79 : i1 to i32
        %cond3A_81 = arith.constant 0 : i32
        %cond3A_82 = arith.cmpi ne, %convert_element_type3A_80, %cond3A_81 : i32
        scf.if %cond3A_82 {
          %mul3A_83 = arith.constant 128 : i32
          %mul3A_84 = arith.muli %add3A_77, %mul3A_83 : i32
          %mul3A_85 = arith.constant 32 : i32
          %mul3A_86 = arith.muli %mul3A_84, %mul3A_85 : i32
          %dma_start3A = tpu.memref_slice %arg3[%mul3A_86] : memref<32000000xf32, #tpu.memory_space<hbm>> -> memref<4096xf32, #tpu.memory_space<hbm>>
          %dma_start3A_87 = tpu.memref_slice %arg3[%mul3A_86] : memref<32000000xf32, #tpu.memory_space<hbm>> -> memref<4096xf32, #tpu.memory_space<hbm>>
          tpu.enqueue_dma source(%arg6 : memref<4096xf32, #tpu.memory_space<vmem>>) target(%dma_start3A_87 : memref<4096xf32, #tpu.memory_space<hbm>>) target_semaphore(%arg10 : memref<!tpu.dma_semaphore, #tpu.memory_space<semaphore_mem>>)
        } else {
        }
      } else {
      }
      %mul3A_38 = arith.constant 2 : i32
      %mul3A_39 = arith.muli %scan3A_25, %mul3A_38 : i32
      %add3A_40 = arith.constant 1 : i32
      %add3A_41 = arith.addi %mul3A_39, %add3A_40 : i32
      %mul3A_42 = arith.constant 32 : i32
      %mul3A_43 = arith.muli %add3A_41, %mul3A_42 : i32
      %add3A_44 = arith.addi %add3A, %mul3A_43 : i32
      %lt3A_45 = arith.constant 7813 : i32
      %lt3A_46 = arith.cmpi slt, %add3A_44, %lt3A_45 : i32
      %convert_element_type3A_47 = arith.extui %lt3A_46 : i1 to i32
      %cond3A_48 = arith.constant 0 : i32
      %cond3A_49 = arith.cmpi ne, %convert_element_type3A_47, %cond3A_48 : i32
      scf.if %cond3A_49 {
        %add3A_50 = arith.constant 1 : i32
        %add3A_51 = arith.addi %add3A_41, %add3A_50 : i32
        %mul3A_52 = arith.constant 32 : i32
        %mul3A_53 = arith.muli %add3A_51, %mul3A_52 : i32
        %add3A_54 = arith.addi %add3A, %mul3A_53 : i32
        %lt3A_55 = arith.constant 7813 : i32
        %lt3A_56 = arith.cmpi slt, %add3A_54, %lt3A_55 : i32
        %convert_element_type3A_57 = arith.extui %lt3A_56 : i1 to i32
        %cond3A_58 = arith.constant 0 : i32
        %cond3A_59 = arith.cmpi ne, %convert_element_type3A_57, %cond3A_58 : i32
        scf.if %cond3A_59 {
          %mul3A_83 = arith.constant 128 : i32
          %mul3A_84 = arith.muli %add3A_54, %mul3A_83 : i32
          %multiple_of3A = tpu.assume_multiple %mul3A_84, 128 : i32
          %dma_start3A = arith.constant 0 : i32
          %dma_start3A_85 = tpu.memref_slice %arg2[%dma_start3A, %multiple_of3A] : memref<32x1000000xf32, #tpu.memory_space<hbm>> -> memref<32x128xf32, #tpu.memory_space<hbm>>
          %dma_start3A_86 = arith.constant 0 : i32
          %dma_start3A_87 = tpu.memref_slice %arg2[%dma_start3A_86, %multiple_of3A] : memref<32x1000000xf32, #tpu.memory_space<hbm>> -> memref<32x128xf32, #tpu.memory_space<hbm>>
          tpu.enqueue_dma source(%dma_start3A_87 : memref<32x128xf32, #tpu.memory_space<hbm>>) target(%arg4 : memref<32x128xf32, #tpu.memory_space<vmem>>) target_semaphore(%arg8 : memref<!tpu.dma_semaphore, #tpu.memory_space<semaphore_mem>>)
        } else {
        }
        %dma_wait3A = arith.constant 0 : i32
        %dma_wait3A_60 = arith.constant 0 : i32
        %dma_wait3A_61 = tpu.memref_slice %arg2[%dma_wait3A, %dma_wait3A_60] : memref<32x1000000xf32, #tpu.memory_space<hbm>> -> memref<32x128xf32, #tpu.memory_space<hbm>>
        %dma_wait3A_62 = arith.constant 0 : i32
        %dma_wait3A_63 = arith.constant 0 : i32
        %dma_wait3A_64 = tpu.memref_slice %arg2[%dma_wait3A_62, %dma_wait3A_63] : memref<32x1000000xf32, #tpu.memory_space<hbm>> -> memref<32x128xf32, #tpu.memory_space<hbm>>
        tpu.wait_dma2 semaphore(%arg9 : memref<!tpu.dma_semaphore, #tpu.memory_space<semaphore_mem>>) src(%dma_wait3A_64 : memref<32x128xf32, #tpu.memory_space<hbm>>) dst(%arg5 : memref<32x128xf32, #tpu.memory_space<vmem>>)
        %ge3A = arith.constant 2 : i32
        %ge3A_65 = arith.cmpi sge, %add3A_41, %ge3A : i32
        %convert_element_type3A_66 = arith.extui %ge3A_65 : i1 to i32
        %cond3A_67 = arith.constant 0 : i32
        %cond3A_68 = arith.cmpi ne, %convert_element_type3A_66, %cond3A_67 : i32
        scf.if %cond3A_68 {
          %dma_wait3A_83 = arith.constant 0 : i32
          %dma_wait3A_84 = tpu.memref_slice %arg3[%dma_wait3A_83] : memref<32000000xf32, #tpu.memory_space<hbm>> -> memref<4096xf32, #tpu.memory_space<hbm>>
          %dma_wait3A_85 = arith.constant 0 : i32
          %dma_wait3A_86 = tpu.memref_slice %arg3[%dma_wait3A_85] : memref<32000000xf32, #tpu.memory_space<hbm>> -> memref<4096xf32, #tpu.memory_space<hbm>>
          tpu.wait_dma2 semaphore(%arg11 : memref<!tpu.dma_semaphore, #tpu.memory_space<semaphore_mem>>) src(%dma_wait3A_86 : memref<4096xf32, #tpu.memory_space<hbm>>) dst(%arg7 : memref<4096xf32, #tpu.memory_space<vmem>>)
        } else {
        }
        %scan3A_69 = arith.constant 0 : i32
        %scan3A_70 = arith.constant 0 : i32
        %scan3A_71 = arith.constant 128 : i32
        %scan3A_72 = arith.addi %scan3A_70, %scan3A_71 : i32
        %scan3A_73 = arith.constant 1 : i32
        scf.for %scan3A_83 = %scan3A_70 to %scan3A_72 step %scan3A_73  : i32 {
          %broadcast_in_dim3A = vector.broadcast %scan3A_83 : i32 to vector<16xi32>
          %mul3A_84 = arith.constant 32 : i32
          %mul3A_85 = arith.muli %scan3A_83, %mul3A_84 : i32
          %multiple_of3A = tpu.assume_multiple %mul3A_85, 16 : i32
          %add3A_86 = arith.constant 0 : i32
          %add3A_87 = vector.broadcast %add3A_86 : i32 to vector<16xi32>
          %add3A_88 = arith.addi %add3A_87, %iota3A : vector<16xi32>
          %gather3A = tpu.vector_load_idx %arg5[%add3A_88, %broadcast_in_dim3A] : memref<32x128xf32, #tpu.memory_space<vmem>>[vector<16xi32>, vector<16xi32>], vector<16xf32>,
          %add3A_89 = arith.constant 0 : i32
          %add3A_90 = arith.addi %multiple_of3A, %add3A_89 : i32
          %swap3A = arith.index_cast %add3A_90 : i32 to index
          %swap3A_91 = tpu.vector_load %arg7[%swap3A] {strides = array<i32>} : memref<4096xf32, #tpu.memory_space<vmem>>, vector<16xf32>,
          tpu.vector_store %arg7[%swap3A], %gather3A {strides = array<i32>} : memref<4096xf32, #tpu.memory_space<vmem>>, vector<16xf32>,
          %add3A_92 = arith.constant 16 : i32
          %add3A_93 = vector.broadcast %add3A_92 : i32 to vector<16xi32>
          %add3A_94 = arith.addi %add3A_93, %iota3A : vector<16xi32>
          %gather3A_95 = tpu.vector_load_idx %arg5[%add3A_94, %broadcast_in_dim3A] : memref<32x128xf32, #tpu.memory_space<vmem>>[vector<16xi32>, vector<16xi32>], vector<16xf32>,
          %add3A_96 = arith.constant 16 : i32
          %add3A_97 = arith.addi %multiple_of3A, %add3A_96 : i32
          %swap3A_98 = arith.index_cast %add3A_97 : i32 to index
          %swap3A_99 = tpu.vector_load %arg7[%swap3A_98] {strides = array<i32>} : memref<4096xf32, #tpu.memory_space<vmem>>, vector<16xf32>,
          tpu.vector_store %arg7[%swap3A_98], %gather3A_95 {strides = array<i32>} : memref<4096xf32, #tpu.memory_space<vmem>>, vector<16xf32>,
        }
        %scan3A_74 = arith.constant 128 : i32
        %mul3A_75 = arith.constant 32 : i32
        %mul3A_76 = arith.muli %add3A_41, %mul3A_75 : i32
        %add3A_77 = arith.addi %add3A, %mul3A_76 : i32
        %lt3A_78 = arith.constant 7813 : i32
        %lt3A_79 = arith.cmpi slt, %add3A_77, %lt3A_78 : i32
        %convert_element_type3A_80 = arith.extui %lt3A_79 : i1 to i32
        %cond3A_81 = arith.constant 0 : i32
        %cond3A_82 = arith.cmpi ne, %convert_element_type3A_80, %cond3A_81 : i32
        scf.if %cond3A_82 {
          %mul3A_83 = arith.constant 128 : i32
          %mul3A_84 = arith.muli %add3A_77, %mul3A_83 : i32
          %mul3A_85 = arith.constant 32 : i32
          %mul3A_86 = arith.muli %mul3A_84, %mul3A_85 : i32
          %dma_start3A = tpu.memref_slice %arg3[%mul3A_86] : memref<32000000xf32, #tpu.memory_space<hbm>> -> memref<4096xf32, #tpu.memory_space<hbm>>
          %dma_start3A_87 = tpu.memref_slice %arg3[%mul3A_86] : memref<32000000xf32, #tpu.memory_space<hbm>> -> memref<4096xf32, #tpu.memory_space<hbm>>
          tpu.enqueue_dma source(%arg7 : memref<4096xf32, #tpu.memory_space<vmem>>) target(%dma_start3A_87 : memref<4096xf32, #tpu.memory_space<hbm>>) target_semaphore(%arg11 : memref<!tpu.dma_semaphore, #tpu.memory_space<semaphore_mem>>)
        } else {
        }
      } else {
      }
    }
    %scan3A_9 = arith.constant 123 : i32
    %add3A_10 = arith.constant 0 : i32
    %add3A_11 = arith.addi %add3A, %add3A_10 : i32
    %lt3A_12 = arith.constant 7813 : i32
    %lt3A_13 = arith.cmpi slt, %add3A_11, %lt3A_12 : i32
    %convert_element_type3A_14 = arith.extui %lt3A_13 : i1 to i32
    %cond3A_15 = arith.constant 0 : i32
    %cond3A_16 = arith.cmpi ne, %convert_element_type3A_14, %cond3A_15 : i32
    scf.if %cond3A_16 {
      %dma_wait3A = arith.constant 0 : i32
      %dma_wait3A_25 = tpu.memref_slice %arg3[%dma_wait3A] : memref<32000000xf32, #tpu.memory_space<hbm>> -> memref<4096xf32, #tpu.memory_space<hbm>>
      %dma_wait3A_26 = arith.constant 0 : i32
      %dma_wait3A_27 = tpu.memref_slice %arg3[%dma_wait3A_26] : memref<32000000xf32, #tpu.memory_space<hbm>> -> memref<4096xf32, #tpu.memory_space<hbm>>
      tpu.wait_dma2 semaphore(%arg10 : memref<!tpu.dma_semaphore, #tpu.memory_space<semaphore_mem>>) src(%dma_wait3A_27 : memref<4096xf32, #tpu.memory_space<hbm>>) dst(%arg6 : memref<4096xf32, #tpu.memory_space<vmem>>)
    } else {
    }
    %add3A_17 = arith.constant 32 : i32
    %add3A_18 = arith.addi %add3A, %add3A_17 : i32
    %lt3A_19 = arith.constant 7813 : i32
    %lt3A_20 = arith.cmpi slt, %add3A_18, %lt3A_19 : i32
    %and3A = arith.constant true
    %and3A_21 = arith.andi %and3A, %lt3A_20 : i1
    %convert_element_type3A_22 = arith.extui %and3A_21 : i1 to i32
    %cond3A_23 = arith.constant 0 : i32
    %cond3A_24 = arith.cmpi ne, %convert_element_type3A_22, %cond3A_23 : i32
    scf.if %cond3A_24 {
      %dma_wait3A = arith.constant 0 : i32
      %dma_wait3A_25 = tpu.memref_slice %arg3[%dma_wait3A] : memref<32000000xf32, #tpu.memory_space<hbm>> -> memref<4096xf32, #tpu.memory_space<hbm>>
      %dma_wait3A_26 = arith.constant 0 : i32
      %dma_wait3A_27 = tpu.memref_slice %arg3[%dma_wait3A_26] : memref<32000000xf32, #tpu.memory_space<hbm>> -> memref<4096xf32, #tpu.memory_space<hbm>>
      tpu.wait_dma2 semaphore(%arg11 : memref<!tpu.dma_semaphore, #tpu.memory_space<semaphore_mem>>) src(%dma_wait3A_27 : memref<4096xf32, #tpu.memory_space<hbm>>) dst(%arg7 : memref<4096xf32, #tpu.memory_space<vmem>>)
    } else {
    }
    return
  }
}

</mosaic_0001>

<sc_bundles>
// kernel: _untile_table.3.cloned.1.call-start
scs
__scs_entry_jumppad:
0x0: {  	(pc) =	sbr.rel $0x88, $3  }
0x1: {  	(tag) =	ssettag $0x0;
	lr =	simm.s32 $0x1  }
0x2: {  	[smem:$0x3FA0] =	sst lr;
	_ =	strace $0xD0000000  }
0x3: {  	_ = 	snop  }
0x4: {  	_ = 	snop  }
0x5: {  	_ = 	snop  }
0x6: {  	_ = 	snop  }
0x7: {  	_ = 	snop  }
__scs_overlays_trampoline_lowered:
0x8: {  	[smem:$0x3FAF] =	sst s0  }
0x9: {  	[smem:$0x3FB0] =	sst s1  }
0xa: {  	[smem:$0x3FB1] =	sst s2  }
0xb: {  	[smem:$0x3FB2] =	sst s3  }
0xc: {  	[smem:$0x3FB3] =	sst s4  }
0xd: {  	[smem:$0x3FB4] =	sst s5  }
0xe: {  	[smem:$0x3FB5] =	sst s6  }
0xf: {  	[smem:$0x3FB6] =	sst s7  }
0x10: {  	[smem:$0x3FB7] =	sst s8  }
0x11: {  	[smem:$0x3FB8] =	sst s9;
	s0 =	simm.s32 @!p0 $0x0  }
0x12: {  	s1 =	sld [smem:$0x3F9E];
	s0 =	simm.s32 @p0 $0x1  }
0x13: {  	[smem:$0x3FB9] =	sst s0;
	s0 =	simm.s32 @!p1 $0x0  }
0x14: {  	s2 =	sld [smem:$0x3F9D];
	s0 =	simm.s32 @p1 $0x1  }
0x15: {  	[smem:$0x3FBA] =	sst s0;
	s0 =	simm.s32 @!p2 $0x0  }
0x16: {  	s3 =	sld [smem:$0x3FDB];
	s0 =	simm.s32 @p2 $0x1  }
0x17: {  	s4 =	simm.s32 $0x1BF5;
	[smem:$0x3FBC] =	sst s0  }
0x18: {  	s0 =	sld [smem:$0x3F9F];
	_ =	swait.ge [sflag:s4], $0x0  }
0x19: {  	s7 =	sld [smem:$0x3FA0]  }
0x1a: {  	s8 =	sadd.s32 $0xFFFFE003, lr  }
0x1b: {  	s9 =	sadd.s32 $0xFFFFFEF7, lr;
	s5 =	simm.s32 $0xFFFFFFFF;
	p2 =	slt.u32 s8, $0xFFFFF086  }
0x1c: {  	p1 =	slt.u32 s9, $0xF7A;
	s5 =	simm.s32 @!p2 $0x0  }
0x1d: {  	s5 =	simm.s32 @p1 $0x1;
	p0 =	seq.s32 s7, s2  }
0x1e: {  	s7 =	smul.u32 @!p0 $0xF7A, s2;
	p2 =	seq.s32 @!p0 s5, $0x0  }
0x1f: {  	s9 =	smul.u32 $0xF7A, s1;
	s8 =	simm.s32 @!p0 $0x1BF5;
	p2 =	por !p2, p0  }
0x20: {  	[sflag:s8] =	ssyncset.s32 @!p0 $0xFFFFF086;
	s6 =	sadd.s32 @!p0 s3, s7;
	s7 =	simm.s32 @!p0 $0x108  }
0x21: {  	s3 =	sadd.s32 s3, s9;
	s6 =	sadd.s32 @!p0 $0x88, s6;
	s7 =	simm.s32 @p2 $0x1082  }
0x22: {  	[simem:s7], [sflag:s8] =	dma.local @!p0 [hbm:s6], $0xF7A  }
0x23: {  	s9 =	sor.u32 $0xD0000000, s2;
	s6 =	simm.s32 $0x108;
	_ =	swait.ge @!p0 [sflag:s8], $0x0  }
0x24: {  	s3 =	sadd.s32 $0x88, s3;
	s6 =	simm.s32 @!p1 $0x1082;
	[sflag:s4] =	ssyncset.s32 $0xFFFFF086  }
0x25: {  	[simem:s6], [sflag:s4] =	dma.local [hbm:s3], $0xF7A  }
0x26: {  	[smem:$0x3FA0] =	sst s1;
	(tag) =	ssettag s2;
	_ =	strace s9  }
0x27: {  	s1 =	sld [smem:$0x3FB0]  }
0x28: {  	s2 =	sld [smem:$0x3FB1]  }
0x29: {  	s4 =	sld [smem:$0x3FB3]  }
0x2a: {  	p0 =	seq.s32 s5, $0x0;
	s5 =	sld [smem:$0x3FB4]  }
0x2b: {  	s6 =	sld [smem:$0x3FB5]  }
0x2c: {  	s7 =	sld [smem:$0x3FB6]  }
0x2d: {  	s3 =	simm.s32 $0x108;
	s8 =	sld [smem:$0x3FB7]  }
0x2e: {  	s3 =	simm.s32 @!p0 $0x1082;
	s9 =	sld [smem:$0x3FB8]  }
0x2f: {  	lr =	sadd.s32 s0, s3;
	s0 =	sld [smem:$0x3FAF]  }
0x30: {  	s3 =	sld [smem:$0x3FB2]  }
0x31: {  	[smem:$0x3FBB] =	sst s10  }
0x32: {  	s10 =	sld [smem:$0x3FB9];
	_ =	sdelay $0x3  }
0x33: {  	p0 =	seq.s32 s10, $0x1;
	s10 =	sld [smem:$0x3FBB];
	_ =	sdelay $0x3  }
0x34: {  	[smem:$0x3FBB] =	sst s10  }
0x35: {  	s10 =	sld [smem:$0x3FBA];
	_ =	sdelay $0x3  }
0x36: {  	p1 =	seq.s32 s10, $0x1;
	s10 =	sld [smem:$0x3FBB];
	_ =	sdelay $0x3  }
0x37: {  	[smem:$0x3FBB] =	sst s10  }
0x38: {  	s10 =	sld [smem:$0x3FBC]  }
0x39: {  	_ = 	snop;
	(pc) =	sbr.ind lr, $3  }
0x3a: {  	_ = 	snop  }
0x3b: {  	_ = 	snop  }
0x3c: {  	p2 =	seq.s32 s10, $0x1;
	s10 =	sld [smem:$0x3FBB]  }
0x3d: {  	_ =	shalt  }
0x3e: {  	_ =	shalt  }
0x3f: {  	_ =	shalt  }
0x40: {  	_ =	shalt  }
0x41: {  	_ =	shalt  }
0x42: {  	_ =	shalt  }
0x43: {  	_ =	shalt  }
0x44: {  	_ =	shalt  }
0x45: {  	_ =	shalt  }
0x46: {  	_ =	shalt  }
0x47: {  	_ =	shalt  }
0x48: {  	_ =	shalt  }
0x49: {  	_ =	shalt  }
0x4a: {  	_ =	shalt  }
0x4b: {  	_ =	shalt  }
0x4c: {  	_ =	shalt  }
0x4d: {  	_ =	shalt  }
0x4e: {  	_ =	shalt  }
0x4f: {  	_ =	shalt  }
0x50: {  	_ =	shalt  }
0x51: {  	_ =	shalt  }
0x52: {  	_ =	shalt  }
0x53: {  	_ =	shalt  }
0x54: {  	_ =	shalt  }
0x55: {  	_ =	shalt  }
0x56: {  	_ =	shalt  }
0x57: {  	_ =	shalt  }
0x58: {  	_ =	shalt  }
0x59: {  	_ =	shalt  }
0x5a: {  	_ =	shalt  }
0x5b: {  	_ =	shalt  }
0x5c: {  	_ =	shalt  }
0x5d: {  	_ =	shalt  }
0x5e: {  	_ =	shalt  }
0x5f: {  	_ =	shalt  }
0x60: {  	_ =	shalt  }
0x61: {  	_ =	shalt  }
0x62: {  	_ =	shalt  }
0x63: {  	_ =	shalt  }
0x64: {  	_ =	shalt  }
0x65: {  	_ =	shalt  }
0x66: {  	_ =	shalt  }
0x67: {  	_ =	shalt  }
0x68: {  	_ =	shalt  }
0x69: {  	_ =	shalt  }
0x6a: {  	_ =	shalt  }
0x6b: {  	_ =	shalt  }
0x6c: {  	_ =	shalt  }
0x6d: {  	_ =	shalt  }
0x6e: {  	_ =	shalt  }
0x6f: {  	_ =	shalt  }
0x70: {  	_ =	shalt  }
0x71: {  	_ =	shalt  }
0x72: {  	_ =	shalt  }
0x73: {  	_ =	shalt  }
0x74: {  	_ =	shalt  }
0x75: {  	_ =	shalt  }
0x76: {  	_ =	shalt  }
0x77: {  	_ =	shalt  }
0x78: {  	_ =	shalt  }
0x79: {  	_ =	shalt  }
0x7a: {  	_ =	shalt  }
0x7b: {  	_ =	shalt  }
0x7c: {  	_ =	shalt  }
0x7d: {  	_ =	shalt  }
0x7e: {  	_ =	shalt  }
0x7f: {  	_ =	shalt  }
0x80: {  	_ =	shalt  }
0x81: {  	_ =	shalt  }
0x82: {  	_ =	shalt  }
0x83: {  	_ =	shalt  }
0x84: {  	_ =	shalt  }
0x85: {  	_ =	shalt  }
0x86: {  	_ =	shalt  }
0x87: {  	_ =	shalt  }
.Lfunc_end0:
.L_simem_size_0:
called_computation_lowered:
.L_overlay_start_0:
0x88: {  	s2 =	sld [smem:$0x3FD9]  }
0x89: {  	s3 =	sld [smem:$0x3FFE];
	_ =	sdelay $0x1  }
0x8a: {  	s1 =	srdreg.scid  }
0x8b: {  	s0 =	sand.u32 $0x1, s1  }
0x8c: {  	s18 =	sshll.u32 s0, $0xA;
	s2 =	sadd.s32 s3, s2  }
0x8d: {  	s2 =	sadd.s32 s2, s18  }
0x8e: {  	[smem:$0x3FC7] =	sst s2  }
0x8f: {  	_ = 	snop  }
0x90: {  	s2 =	sld [smem:$0x3FC9]  }
0x91: {  	s19 =	sld [smem:$0x3FD0];
	(tm) =	ssettm $0x1  }
0x92: {  	s4 =	sld [smem:$0x3FFB];
	_ =	sdelay $0x3  }
0x93: {  	_ =	strace s4  }
0x94: {  	s4 =	sld [smem:$0x3FFC];
	_ =	sdelay $0x3  }
0x95: {  	_ =	strace s4  }
0x96: {  	s4 =	sld [smem:$0x3FFD];
	_ =	sdelay $0x3  }
0x97: {  	_ =	strace s4  }
0x98: {  	_ =	strace $0x8FFFFFFF  }
0x99: {  	s20 =	sld [smem:$0x3FDB];
	_ =	sdelay $0x1  }
0x9a: {  	s5 =	simm.s32 $_scs_section_size  }
0x9b: {  	s6 =	simm.s32 $_size__tile_overlayer_lowered;
	s7 =	simm.s32 $_tile_overlayer_lowered  }
0x9c: {  	s23 =	simm.s32 $0x1BFF;
	s22 =	sshll.u32 s7, $0x1;
	s4 =	sadd.s32 s5, s20  }
0x9d: {  	s8 =	simm.s32 $0x0;
	s21 =	sshll.u32 s6, $0x1;
	s6 =	sadd.s32 s22, s4  }
0x9e: {  	[timem:s8], [sflag:s23] =	dma.local [hbm:s6], s21  }
0x9f: {  	_ =	swait.ge [sflag:s23], s21  }
0xa0: {  	s5 =	ssub.s32 $0x0, s21;
	[sflag:s23] =	ssyncset.done $0x0  }
0xa1: {  	[sflag:s23] =	ssyncadd.s32 s5;
	_ =	sdelay $0x1  }
0xa2: {  	s24 =	simm.s32 $0x1B8B  }
0xa3: {  	_ =	swait.ge [sflag:s24], $0x1  }
0xa4: {  	[sflag:s24] =	ssyncset.done $0x0  }
0xa5: {  	s25 =	simm.s32 $0x1B8E;
	[sflag:s24] =	ssyncadd.s32 $0xFFFFFFFF  }
0xa6: {  	s26 =	simm.s32 $execute0_lowered;
	[smem:$0x3FD2] =	sst s25  }
0xa7: {  	s5 =	sshll.u32 s26, $0x1;
	_ =	strace $0x80000046;
	[dreg:$0x1] =	wrdreg $0xFFFFFFFF  }
0xa8: {  	s28 =	simm.s32 $_size_execute0_lowered;
	s4 =	sadd.s32 s4, s5;
	[dreg:$0x0] =	wrdreg $0x0  }
0xa9: {  	s5 =	sshll.u32 s28, $0x1;
	[dreg:$0x2] =	wrdreg s4  }
0xaa: {  	[dreg:$0x3] =	wrdreg s5  }
0xab: {  	[dreg:$0x4] =	wrdreg $0xC0  }
0xac: {  	_ =	task [dreg:s8], $0x5FFFF  }
0xad: {  	[dreg:$0x1] =	wrdreg $0xFFFFFFFF  }
0xae: {  	[dreg:$0x0] =	wrdreg $0x60  }
0xaf: {  	[dreg:$0x2] =	wrdreg s2  }
0xb0: {  	[dreg:$0x3] =	wrdreg s19  }
0xb1: {  	[dreg:$0x4] =	wrdreg $0x9  }
0xb2: {  	_ =	task.clear_ibuf [dreg:s8], $0x5FFFF;
	_ =	strace $0x90000046  }
0xb3: {  	s29 =	simm.s32 $0x9;
	_ =	strace $0x80000048  }
0xb4: {  	_ =	swait.ge [sflag:s29], $0x1  }
0xb5: {  	[sflag:s29] =	ssyncadd.s32 $0xFFFFFFFF  }
0xb6: {  	_ =	strace $0x90000048  }
0xb7: {  	_ =	sfence  }
0xb8: {  	s30 =	sld [smem:$0x0];
	_ =	sdelay $0x2  }
0xb9: {  	s31 =	sshll.u32 s1, $0xD;
	s1 =	sshrl.u32 s1, $0x2  }
0xba: {  	s3 =	sand.u32 $0x4000, s31;
	s1 =	sadd.s32 s1, s30  }
0xbb: {  	s0 =	sor.u32 s3, s0;
	s1 =	sshll.u32 s1, $0x11  }
0xbc: {  	s0 =	sor.u32 s1, s0  }
0xbd: {  	s0 =	sadd.s32 $0x8F2B, s0  }
0xbe: {  	[sflag:s0] =	ssyncadd.remote.s32 $0x1  }
0xbf: {  	_ =	sfence.sel $0xFFFF  }
0xc0: {  	[dreg:$0x0] =	wrdreg $0xFFFFFFFF;
	(pc) =	sbr.abs _section_cstart, $3  }
0xc1: {  	[dreg:$0x1] =	wrdreg $0xFFFFFFFF  }
0xc2: {  	_ =	task.clear_ibuf [dreg:s8], $0x2FFFF;
	_ =	strace $0x9FFFFFFF  }
0xc3: {  	(tm) =	ssettm $0x7FFFFFFF  }
tec
execute0_lowered:
.L_overlay_start_1:
0x0: {  	(tag) =	ssettag $0x1  }
0x1: {  	s2 =	rddreg [dreg:$0x0]  }
0x2: {  	s3 =	rddreg [dreg:$0x1];
	s4 =	srdreg.scid  }
0x3: {  	s1 =	stileid.u32;
	s0 =	rddreg [dreg:$0x2]  }
0x4: {  	s10 =	simm.s32 $0x7A1400;
	s11 =	simm.s32 $0x1;
	s12 =	simm.s32 $0x2000  }
0x5: {  	s13 =	simm.s32 $0x2;
	s14 =	simm.s32 $0x1000;
	s15 =	simm.s32 $0x3000  }
0x6: {  	s16 =	simm.s32 $0x3;
	s17 =	simm.s32 $0x4;
	s18 =	simm.s32 $0x0  }
.Ltmp0:
0x7: {  	s5 =	sand.u32 $0x1, s4;
	s6 =	sshll.u32 s1, $0x1;
	(pc) =	sbr.rel .LBB2_1-.Ltmp0, $4  }
0x8: {  	v0 =	vlaneseq.u32;
	s4 =	simm.s32 $0x0;
	s7 =	ssub.s32 $0x2, s5;
	s5 =	sor.u32 s5, s6  }
0x9: {  	v0 =	vmul.u32 $0x80, v0;
	[smem:$0x7FF] =	sst s4;
	s31 =	sshrl.u32 s7, $0x1;
	s8 =	sshll.u32 s5, $0x7  }
0xa: {  	_ =	strace $0x80000047;
	s9 =	ssub.s32 s7, s31;
	s6 =	sadd.s32 s2, s8  }
0xb: {  	v1 =	vor.u32 $0x800, v0;
	s7 =	sor.u32 $0x40, s5;
	s8 =	smax.u32 s9, $0x1;
	s9 =	simm.s32 $0x400  }
.LBB2_10:
0xc: {  	s18 =	sadd.s32 $0x1, s18  }
0xd: {  	_ =	swait.ge [sflag:s16], $0x1000;
	p0 =	sne.s32 s18, s8  }
.Ltmp1:
0xe: {  	[sflag:s16] =	ssyncset.done $0x0;
	(pc) =	sbr.rel @!p0 .LBB2_11-.Ltmp1, $4  }
0xf: {  	[sflag:s16] =	ssyncadd.s32 $0xFFFFF000  }
0x10: {  	_ =	swait.ge [sflag:s17], $0x1000  }
0x11: {  	[sflag:s17] =	ssyncset.done $0x0  }
0x12: {  	[sflag:s17] =	ssyncadd.s32 $0xFFFFF000  }
.LBB2_1:
.Ltmp2:
0x13: {  	(pc) =	sbr.rel .LBB2_2-.Ltmp2, $3  }
0x14: {  	_ =	sdelay $0x1  }
0x15: {  	[tilespmem:s4], [sflag:$0x1] =	stream.strided.gather [hbm4b:s6+s9], $0x1000, s10, s9, $0x38;
	[tilespmem:$0x4000] =	vst v63  }
0x16: {  	s19 =	simm.s32 $0x0  }
.LBB2_9:
0x17: {  	s19 =	sadd.s32 $0x1, s19  }
0x18: {  	p0 =	sne.s32 s19, $0x7B  }
.Ltmp3:
0x19: {  	_ = 	snop;
	(pc) =	sbr.rel @!p0 .LBB2_10-.Ltmp3, $1  }
0x1a: {  	_ =	sdelay $0x3  }
.LBB2_2:
0x1b: {  	s21 =	sshll.u32 s19, $0x6  }
0x1c: {  	s22 =	sor.u32 s5, s21  }
0x1d: {  	p0 =	sgt.u32 s22, $0x1E84  }
.Ltmp4:
0x1e: {  	_ = 	snop;
	(pc) =	sbr.rel @p0 .LBB2_9-.Ltmp4, $1  }
0x1f: {  	_ =	sdelay $0x3  }
0x20: {  	s20 =	sor.u32 $0x20, s22  }
0x21: {  	s24 =	simm.s32 $0x0;
	p1 =	sgt.u32 s20, $0x1E84  }
0x22: {  	v2 =	vmov s24;
	s23 =	sshll.u32 @!p1 s20, $0x7;
	s24 =	simm.s32 @!p1 $0x400  }
0x23: {  	s25 =	simm.s32 @!p1 $0x7A1400;
	s26 =	simm.s32 @!p1 $0x1000;
	v2 =	vand.u32 $0x7F, v2;
	s23 =	sadd.s32 @!p1 s2, s23  }
0x24: {  	v2 =	vbroadcast v2, $0x0;
	[tilespmem:s26], [sflag:$0x2] =	stream.strided.gather @!p1 [hbm4b:s23+s24], $0x1000, s25, s24, $0x38;
	[tilespmem:$0x4000] =	vst v63  }
0x25: {  	_ =	swait.ge [sflag:s11], $0x1000  }
0x26: {  	p0 =	seq.s32 s19, $0x0;
	v3 =	vor.u32 v0, v2;
	[sflag:s11] =	ssyncset.done $0x0  }
0x27: {  	s23 =	simm.s32 @!p0 $0x3;
	[sflag:s11] =	ssyncadd.s32 $0xFFFFF000  }
0x28: {  	_ =	swait.ge @!p0 [sflag:s23], $0x1000  }
0x29: {  	[sflag:s23] =	ssyncset.done @!p0 $0x0  }
0x2a: {  	[sflag:s23] =	ssyncadd.s32 @!p0 $0xFFFFF000  }
0x2b: {  	v3 =	vld.idx.msk [tilespmem:v3+s4+$0x0], $0xffff  }
0x2c: {  	v2 =	vor.u32 v1, v2;
	_ =	sdelay $0x1  }
0x2d: {  	s31 =	simm.s32 $0x1  }
0x2e: {  	v4 =	vmov s31;
	s24 =	simm.s32 $0x2;
	s23 =	simm.s32 $0x2010  }
.LBB2_4:
0x2f: {  	p2 =	sne.s32 s24, $0x7F;
	v4 =	vand.u32 $0x7F, v4;
	[tilespmem:s23+$0xFFFFFFF0] =	vst v3  }
0x30: {  	v4 =	vbroadcast v4, $0x0;
	v2 =	vld.idx.msk [tilespmem:v2+s4+$0x0], $0xffff;
	_ =	sdelay $0x1  }
0x31: {  	v3 =	vor.u32 v0, v4;
	_ =	sdelay $0x3  }
0x32: {  	[tilespmem:s23+$0x0] =	vst v2  }
0x33: {  	v3 =	vld.idx.msk [tilespmem:v3+s4+$0x0], $0xffff  }
.Ltmp5:
0x34: {  	(pc) =	sbr.rel @p2 .LBB2_4-.Ltmp5, $2  }
0x35: {  	v2 =	vor.u32 v1, v4;
	_ =	sdelay $0x2  }
0x36: {  	v4 =	vmov s24;
	s24 =	sadd.s32 $0x1, s24;
	s23 =	sadd.s32 $0x20, s23  }
0x37: {  	_ =	sdelay $0x1  }
0x38: {  	v4 =	vand.u32 $0x7F, v4  }
0x39: {  	[tilespmem:s23+$0xFFFFFFF0] =	vst v3;
	v3 =	vbroadcast v4, $0x0  }
0x3a: {  	v2 =	vld.idx.msk [tilespmem:v2+s4+$0x0], $0xffff  }
0x3b: {  	v4 =	vor.u32 v0, v3;
	_ =	sdelay $0x3  }
0x3c: {  	[tilespmem:s23+$0x0] =	vst v2  }
0x3d: {  	v2 =	vld.idx.msk [tilespmem:v4+s4+$0x0], $0xffff  }
0x3e: {  	v3 =	vor.u32 v1, v3;
	_ =	sdelay $0x2  }
0x3f: {  	s31 =	sadd.s32 $0x20, s23  }
0x40: {  	[tilespmem:s31+$0xFFFFFFF0] =	vst v2  }
0x41: {  	v2 =	vld.idx.msk [tilespmem:v3+s4+$0x0], $0xffff;
	_ =	sdelay $0x1  }
.Ltmp6:
0x42: {  	_ = 	snop;
	(pc) =	sbr.rel @p1 .LBB2_9-.Ltmp6, $4  }
0x43: {  	_ = 	snop  }
0x44: {  	s22 =	sshll.u32 s22, $0x9  }
0x45: {  	s22 =	sadd.s32 s3, s22;
	[tilespmem:s31+$0x0] =	vst v2  }
0x46: {  	[hbm4b:s22+s4] =	stream.linear.scatter [tilespmem:s12], [sflag:$0x3], $0x1000, $0x38;
	[tilespmem:$0x4000] =	vst v63  }
0x47: {  	s21 =	sadd.s32 s7, s21  }
0x48: {  	s22 =	simm.s32 $0x0;
	p1 =	sgt.u32 s21, $0x1E84  }
0x49: {  	v2 =	vmov s22;
	s21 =	sshll.u32 @!p1 s21, $0x7;
	s22 =	simm.s32 @!p1 $0x400  }
0x4a: {  	s23 =	simm.s32 @!p1 $0x7A1400;
	s24 =	simm.s32 @!p1 $0x0;
	v2 =	vand.u32 $0x7F, v2;
	s21 =	sadd.s32 @!p1 s2, s21  }
0x4b: {  	v2 =	vbroadcast v2, $0x0;
	[tilespmem:s24], [sflag:$0x1] =	stream.strided.gather @!p1 [hbm4b:s21+s22], $0x1000, s23, s22, $0x38;
	[tilespmem:$0x4000] =	vst v63  }
0x4c: {  	_ =	swait.ge [sflag:s13], $0x1000  }
0x4d: {  	v3 =	vor.u32 v0, v2;
	[sflag:s13] =	ssyncset.done $0x0  }
0x4e: {  	s21 =	simm.s32 @!p0 $0x4;
	[sflag:s13] =	ssyncadd.s32 $0xFFFFF000  }
0x4f: {  	_ =	swait.ge @!p0 [sflag:s21], $0x1000  }
0x50: {  	[sflag:s21] =	ssyncset.done @!p0 $0x0  }
0x51: {  	[sflag:s21] =	ssyncadd.s32 @!p0 $0xFFFFF000  }
0x52: {  	v3 =	vld.idx.msk [tilespmem:v3+s14+$0x0], $0xffff  }
0x53: {  	v2 =	vor.u32 v1, v2;
	_ =	sdelay $0x1  }
0x54: {  	s31 =	simm.s32 $0x1  }
0x55: {  	v4 =	vmov s31;
	s22 =	simm.s32 $0x2;
	s21 =	simm.s32 $0x3010  }
.LBB2_7:
0x56: {  	p0 =	sne.s32 s22, $0x7F;
	v4 =	vand.u32 $0x7F, v4;
	[tilespmem:s21+$0xFFFFFFF0] =	vst v3  }
0x57: {  	v4 =	vbroadcast v4, $0x0;
	v2 =	vld.idx.msk [tilespmem:v2+s14+$0x0], $0xffff;
	_ =	sdelay $0x1  }
0x58: {  	v3 =	vor.u32 v0, v4;
	_ =	sdelay $0x3  }
0x59: {  	[tilespmem:s21+$0x0] =	vst v2  }
0x5a: {  	v3 =	vld.idx.msk [tilespmem:v3+s14+$0x0], $0xffff  }
.Ltmp7:
0x5b: {  	(pc) =	sbr.rel @p0 .LBB2_7-.Ltmp7, $2  }
0x5c: {  	v2 =	vor.u32 v1, v4;
	_ =	sdelay $0x2  }
0x5d: {  	v4 =	vmov s22;
	s22 =	sadd.s32 $0x1, s22;
	s21 =	sadd.s32 $0x20, s21  }
0x5e: {  	_ =	sdelay $0x1  }
0x5f: {  	v4 =	vand.u32 $0x7F, v4  }
0x60: {  	[tilespmem:s21+$0xFFFFFFF0] =	vst v3;
	v3 =	vbroadcast v4, $0x0  }
0x61: {  	v2 =	vld.idx.msk [tilespmem:v2+s14+$0x0], $0xffff  }
0x62: {  	v4 =	vor.u32 v0, v3;
	_ =	sdelay $0x3  }
0x63: {  	[tilespmem:s21+$0x0] =	vst v2  }
0x64: {  	v2 =	vld.idx.msk [tilespmem:v4+s14+$0x0], $0xffff  }
0x65: {  	v3 =	vor.u32 v1, v3;
	_ =	sdelay $0x2  }
0x66: {  	s31 =	sadd.s32 $0x20, s21  }
0x67: {  	[tilespmem:s31+$0xFFFFFFF0] =	vst v2  }
0x68: {  	v2 =	vld.idx.msk [tilespmem:v3+s14+$0x0], $0xffff;
	_ =	sdelay $0x1  }
.Ltmp8:
0x69: {  	_ = 	snop;
	(pc) =	sbr.rel .LBB2_9-.Ltmp8, $4  }
0x6a: {  	_ = 	snop  }
0x6b: {  	s20 =	sshll.u32 s20, $0x9  }
0x6c: {  	s20 =	sadd.s32 s3, s20;
	[tilespmem:s31+$0x0] =	vst v2  }
0x6d: {  	[hbm4b:s20+s4] =	stream.linear.scatter [tilespmem:s15], [sflag:$0x4], $0x1000, $0x38;
	[tilespmem:$0x4000] =	vst v63  }
.LBB2_11:
0x6e: {  	_ =	sfence.sel $0x180000  }
0x6f: {  	[bflag:$0x0] =	sbarrier.arrive $0xFFFF  }
0x70: {  	p0 =	sne.s32 s1, $0x0;
	_ =	strace $0x90000047  }
0x71: {  	s0 =	sadd.s32 @!p0 $0x100000, s0;
	[bflag:$0x2] =	sbarrier.arrive $0xFFFF  }
0x72: {  	[sflag:s0] =	ssyncadd.tile.s32 @!p0 $0x1;
	_ =	shalt  }
.Lfunc_end2:
_tile_overlayer_lowered:
.L_overlay_start_2:
0x73: {  	(tag) =	ssettag $0x2  }
0x74: {  	s0 =	rddreg [dreg:$0x0];
	s2 =	stileid.u32  }
0x75: {  	s1 =	rddreg [dreg:$0x1];
	p0 =	sne.s32 s2, $0x0  }
0x76: {  	s3 =	rddreg [dreg:$0x2];
	[bflag:$0x3] =	sbarrier.arrive $0xFFFF;
	s2 =	simm.s32 @!p0 $0x1C05  }
0x77: {  	[timem:s3], [sflag:s2] =	dma.local @!p0 [hbm:s0], s1  }
0x78: {  	s0 =	simm.s32 @!p0 $0x5  }
0x79: {  	_ =	swait.ge @!p0 [sflag:s0], s1  }
0x7a: {  	s1 =	ssub.s32 @!p0 $0x0, s1;
	[sflag:s0] =	ssyncset.done @!p0 $0x0  }
0x7b: {  	[sflag:s0] =	ssyncadd.s32 @!p0 s1  }
0x7c: {  	[bflag:$0x3] =	sbarrier.arrive $0xFFFF  }
0x7d: {  	_ =	shalt  }

</sc_bundles>
